<compile_context>
chip_gen: v7x
topology: tpu7x:2x2x1
jax: 0.10.2.dev20260603
libtpu: 0.0.44.dev20260713+nightly
codegen_flags: <defaults>
</compile_context>

<pallas_src>
import jax
import jax.numpy as jnp
from jax import lax
from jax.experimental import pallas as pl
from jax.experimental.pallas import tpu as pltpu
from jax.experimental.pallas import tpu_sc as plsc

_NUM_BUCKETS = 32
_N_HEADS = 16
_Q_LEN = 2048
_K_LEN = 2048
_BQ = 1024
_W = 4096
_P_W = 4352
_HALF = _P_W // 2
_THRESHOLDS = (12, 16, 23, 32, 46, 64, 91)


def _sc_lookup_kernel(table_hbm, delta_hbm, out_hbm, table_v, delta_v, p_v):
    c = lax.axis_index("c")
    s = lax.axis_index("s")
    pltpu.sync_copy(table_hbm, table_v)
    pltpu.sync_copy(delta_hbm, delta_v)
    delta = delta_v[...]
    head_vec = jnp.full((16,), s, jnp.int32)
    base = c * _HALF

    zero = jnp.zeros((16,), jnp.int32)
    one = jnp.full((16,), 1, jnp.int32)
    half_bkt = jnp.full((16,), _NUM_BUCKETS // 2, jnp.int32)
    eight = jnp.full((16,), 8, jnp.int32)

    def body(i, carry):
        start = base + i * 16 - (_P_W // 2)
        y = lax.iota(jnp.int32, 16) + jnp.full((16,), start, jnp.int32)
        rel = y + delta
        ret = jnp.where(rel > zero, half_bkt, zero)
        rp = jnp.abs(rel)
        large = eight
        for t in _THRESHOLDS:
            large = large + jnp.where(rp >= jnp.full((16,), t, jnp.int32), one, zero)
        bucket = ret + jnp.where(rp < eight, rp, large)
        p_v[pl.ds(i * 16, 16)] = plsc.load_gather(table_v, [bucket, head_vec])
        return carry

    lax.fori_loop(0, _HALF // 16, body, 0)
    pltpu.sync_copy(p_v, out_hbm.at[s, 0, pl.ds(base, _HALF)])


def _sc_lookup(table, delta16):
    mesh = plsc.VectorSubcoreMesh(core_axis_name="c", subcore_axis_name="s")
    return pl.kernel(
        _sc_lookup_kernel,
        mesh=mesh,
        out_type=jax.ShapeDtypeStruct((_N_HEADS, 1, _P_W), jnp.float32),
        scratch_types=[
            pltpu.VMEM((_NUM_BUCKETS, _N_HEADS), jnp.float32),
            pltpu.VMEM((16,), jnp.int32),
            pltpu.VMEM((_HALF,), jnp.float32),
        ],
        compiler_params=pltpu.CompilerParams(needs_layout_passes=False),
    )(table, delta16)


def _tc_expand_kernel(p_ref, out_ref, f8_ref, f_ref):
    i = pl.program_id(1)

    @pl.when(i == 0)
    def _build():
        for s0 in range(8):
            f8_ref[s0:s0 + 1, :] = p_ref[0, 0:1, 128 - s0:128 - s0 + _W + 128]
        for k in range(16):
            f_ref[8 * k:8 * (k + 1), :] = f8_ref[:, 128 - 8 * k:128 - 8 * k + _W]

    for u in range(_BQ // 128):
        m = 15 - (_BQ // 128) * i - u
        out_ref[0, 0, 128 * u:128 * (u + 1), :] = f_ref[
            :, pl.ds(pl.multiple_of(128 * m, 128), _K_LEN)
        ]


def kernel(q_len, k_len, table):
    delta = (jnp.asarray(k_len, jnp.int32) - _K_LEN) - (
        jnp.asarray(q_len, jnp.int32) - _Q_LEN
    )
    p = _sc_lookup(table, jnp.full((16,), delta, jnp.int32))
    out = pl.pallas_call(
        _tc_expand_kernel,
        grid=(_N_HEADS, _Q_LEN // _BQ),
        in_specs=[
            pl.BlockSpec((1, 1, _P_W), lambda h, i: (h, 0, 0)),
        ],
        out_specs=pl.BlockSpec((1, 1, _BQ, _K_LEN), lambda h, i: (0, h, i, 0)),
        out_shape=jax.ShapeDtypeStruct((1, _N_HEADS, _Q_LEN, _K_LEN), jnp.float32),
        scratch_shapes=[
            pltpu.VMEM((8, _W + 128), jnp.float32),
            pltpu.VMEM((128, _W), jnp.float32),
        ],
    )(p)
    return out

# --- scband reference (transcript-rebuilt; emitter-appended) ---
"""Pipeline reference for scband-relative-position-bias-53386443489324 (READ-ONLY COPY).

The authoritative reference and input builder live on the scoring server;
editing this copy changes nothing except your own understanding.
"""

import jax, jax.numpy as jnp
import numpy as np
import math

NUM_BUCKETS = 32
MAX_DISTANCE = 128
N_HEADS = 16
Q_LEN = 2048
K_LEN = 2048


def _relative_position_bucket(relative_position, num_buckets=32, max_distance=128):
    # bidirectional=True branch of the torch reference
    num_buckets = num_buckets // 2
    ret = (relative_position > 0).astype(jnp.int32) * num_buckets
    rp = jnp.abs(relative_position)
    max_exact = num_buckets // 2
    is_small = rp < max_exact
    val_if_large = max_exact + (
        jnp.log(rp.astype(jnp.float32) / max_exact)
        / math.log(max_distance / max_exact)
        * (num_buckets - max_exact)
    ).astype(jnp.int32)
    val_if_large = jnp.minimum(val_if_large, jnp.full_like(val_if_large, num_buckets - 1))
    ret = ret + jnp.where(is_small, rp.astype(jnp.int32), val_if_large)
    return ret


def setup_inputs(seed: int = 0) -> dict:
    key = jax.random.key(seed)
    table = jax.random.normal(key, (NUM_BUCKETS, N_HEADS), dtype=jnp.float32) * 0.02
    return {"q_len": 2048, "k_len": 2048, "table": table}


def reference(q_len, k_len, table):
    q_zero = jnp.asarray(q_len, dtype=jnp.int32) - Q_LEN
    k_zero = jnp.asarray(k_len, dtype=jnp.int32) - K_LEN
    q_pos = jnp.arange(Q_LEN, dtype=jnp.int32) + q_zero
    k_pos = jnp.arange(K_LEN, dtype=jnp.int32) + k_zero
    rel_pos = k_pos[None, :] - q_pos[:, None]
    rp_bucket = _relative_position_bucket(rel_pos, NUM_BUCKETS, MAX_DISTANCE)
    bias = jnp.take(table, rp_bucket, axis=0)  # [q, k, h]
    return jnp.transpose(bias, (2, 0, 1))[None]  # [1, h, q, k]

if __name__ == "__main__":
    import jax
    _d = setup_inputs()
    print(jax.jit(kernel)(*tuple(_d.values())))

</pallas_src>

<mosaic_0001>
#map = affine_map<(d0, d1) -> (0, 0)>
#map1 = affine_map<(d0, d1) -> (0)>
#map2 = affine_map<(d0, d1) -> (0, 0, 0)>
module attributes {stable_mosaic.version = 14 : i64} {
  func.func @_sc_lookup_kernel(%arg0: i32, %arg1: i32, %arg2: memref<32x16xf32, #tpu.memory_space<hbm>>, %arg3: memref<16xi32, #tpu.memory_space<hbm>>, %arg4: memref<16x1x4352xf32, #tpu.memory_space<hbm>>, %arg5: memref<32x16xf32, #tpu.memory_space<vmem>>, %arg6: memref<16xi32, #tpu.memory_space<vmem>>, %arg7: memref<2176xf32, #tpu.memory_space<vmem>>) attributes {dimension_semantics = [#tpu.dimension_semantics<core_parallel>, #tpu.dimension_semantics<subcore_parallel>], iteration_bounds = array<i64: 2, 16>, scalar_prefetch = 0 : i64, scratch_operands = 3 : i64, tpu.core_type = #tpu.core_type<sc_vector_subcore>, window_params = [{transform_indices = #map}, {transform_indices = #map1}, {transform_indices = #map2}]} {
    "tpu.region"() ({
      %run_scoped3A_15 = tpu.sem_alloc : memref<!tpu.dma_semaphore, #tpu.memory_space<semaphore_mem>>
      tpu.enqueue_dma source(%arg2 : memref<32x16xf32, #tpu.memory_space<hbm>>) target(%arg5 : memref<32x16xf32, #tpu.memory_space<vmem>>) target_semaphore(%run_scoped3A_15 : memref<!tpu.dma_semaphore, #tpu.memory_space<semaphore_mem>>)
      tpu.wait_dma2 semaphore(%run_scoped3A_15 : memref<!tpu.dma_semaphore, #tpu.memory_space<semaphore_mem>>) src(%arg2 : memref<32x16xf32, #tpu.memory_space<hbm>>) dst(%arg5 : memref<32x16xf32, #tpu.memory_space<vmem>>)
      tpu.yield
    }) : () -> ()
    "tpu.region"() ({
      %run_scoped3A_15 = tpu.sem_alloc : memref<!tpu.dma_semaphore, #tpu.memory_space<semaphore_mem>>
      tpu.enqueue_dma source(%arg3 : memref<16xi32, #tpu.memory_space<hbm>>) target(%arg6 : memref<16xi32, #tpu.memory_space<vmem>>) target_semaphore(%run_scoped3A_15 : memref<!tpu.dma_semaphore, #tpu.memory_space<semaphore_mem>>)
      tpu.wait_dma2 semaphore(%run_scoped3A_15 : memref<!tpu.dma_semaphore, #tpu.memory_space<semaphore_mem>>) src(%arg3 : memref<16xi32, #tpu.memory_space<hbm>>) dst(%arg6 : memref<16xi32, #tpu.memory_space<vmem>>)
      tpu.yield
    }) : () -> ()
    %get3A = arith.constant 0 : index
    %get3A_0 = tpu.vector_load %arg6[%get3A] {strides = array<i32>} : memref<16xi32, #tpu.memory_space<vmem>>, vector<16xi32>,
    %broadcast_in_dim3A = vector.broadcast %arg1 : i32 to vector<16xi32>
    %mul3A = arith.constant 2176 : i32
    %mul3A_1 = arith.muli %arg0, %mul3A : i32
    %broadcast_in_dim3A_2 = arith.constant 0 : i32
    %broadcast_in_dim3A_3 = vector.broadcast %broadcast_in_dim3A_2 : i32 to vector<16xi32>
    %broadcast_in_dim3A_4 = arith.constant 1 : i32
    %broadcast_in_dim3A_5 = vector.broadcast %broadcast_in_dim3A_4 : i32 to vector<16xi32>
    %broadcast_in_dim3A_6 = arith.constant 16 : i32
    %broadcast_in_dim3A_7 = vector.broadcast %broadcast_in_dim3A_6 : i32 to vector<16xi32>
    %broadcast_in_dim3A_8 = arith.constant 8 : i32
    %broadcast_in_dim3A_9 = vector.broadcast %broadcast_in_dim3A_8 : i32 to vector<16xi32>
    %scan3A = arith.constant 0 : i32
    %scan3A_10 = arith.constant 0 : i32
    %scan3A_11 = arith.constant 136 : i32
    %scan3A_12 = arith.addi %scan3A_10, %scan3A_11 : i32
    %scan3A_13 = arith.constant 1 : i32
    scf.for %scan3A_15 = %scan3A_10 to %scan3A_12 step %scan3A_13  : i32 {
      %mul3A_16 = arith.constant 16 : i32
      %mul3A_17 = arith.muli %scan3A_15, %mul3A_16 : i32
      %add3A = arith.addi %mul3A_1, %mul3A_17 : i32
      %sub3A = arith.constant 2176 : i32
      %sub3A_18 = arith.subi %add3A, %sub3A : i32
      %iota3A = tpu.iota {dimensions = array<i32: 0>} : vector<16xi32>
      %broadcast_in_dim3A_19 = vector.broadcast %sub3A_18 : i32 to vector<16xi32>
      %add3A_20 = arith.addi %iota3A, %broadcast_in_dim3A_19 : vector<16xi32>
      %add3A_21 = arith.addi %add3A_20, %get3A_0 : vector<16xi32>
      %gt3A = arith.cmpi sgt, %add3A_21, %broadcast_in_dim3A_3 : vector<16xi32>
      %select_n3A = arith.select %gt3A, %broadcast_in_dim3A_7, %broadcast_in_dim3A_3 : vector<16xi1>, vector<16xi32>
      %abs3A = math.absi %add3A_21 : vector<16xi32>
      %broadcast_in_dim3A_22 = arith.constant 12 : i32
      %broadcast_in_dim3A_23 = vector.broadcast %broadcast_in_dim3A_22 : i32 to vector<16xi32>
      %ge3A = arith.cmpi sge, %abs3A, %broadcast_in_dim3A_23 : vector<16xi32>
      %select_n3A_24 = arith.select %ge3A, %broadcast_in_dim3A_5, %broadcast_in_dim3A_3 : vector<16xi1>, vector<16xi32>
      %add3A_25 = arith.addi %broadcast_in_dim3A_9, %select_n3A_24 : vector<16xi32>
      %broadcast_in_dim3A_26 = arith.constant 16 : i32
      %broadcast_in_dim3A_27 = vector.broadcast %broadcast_in_dim3A_26 : i32 to vector<16xi32>
      %ge3A_28 = arith.cmpi sge, %abs3A, %broadcast_in_dim3A_27 : vector<16xi32>
      %select_n3A_29 = arith.select %ge3A_28, %broadcast_in_dim3A_5, %broadcast_in_dim3A_3 : vector<16xi1>, vector<16xi32>
      %add3A_30 = arith.addi %add3A_25, %select_n3A_29 : vector<16xi32>
      %broadcast_in_dim3A_31 = arith.constant 23 : i32
      %broadcast_in_dim3A_32 = vector.broadcast %broadcast_in_dim3A_31 : i32 to vector<16xi32>
      %ge3A_33 = arith.cmpi sge, %abs3A, %broadcast_in_dim3A_32 : vector<16xi32>
      %select_n3A_34 = arith.select %ge3A_33, %broadcast_in_dim3A_5, %broadcast_in_dim3A_3 : vector<16xi1>, vector<16xi32>
      %add3A_35 = arith.addi %add3A_30, %select_n3A_34 : vector<16xi32>
      %broadcast_in_dim3A_36 = arith.constant 32 : i32
      %broadcast_in_dim3A_37 = vector.broadcast %broadcast_in_dim3A_36 : i32 to vector<16xi32>
      %ge3A_38 = arith.cmpi sge, %abs3A, %broadcast_in_dim3A_37 : vector<16xi32>
      %select_n3A_39 = arith.select %ge3A_38, %broadcast_in_dim3A_5, %broadcast_in_dim3A_3 : vector<16xi1>, vector<16xi32>
      %add3A_40 = arith.addi %add3A_35, %select_n3A_39 : vector<16xi32>
      %broadcast_in_dim3A_41 = arith.constant 46 : i32
      %broadcast_in_dim3A_42 = vector.broadcast %broadcast_in_dim3A_41 : i32 to vector<16xi32>
      %ge3A_43 = arith.cmpi sge, %abs3A, %broadcast_in_dim3A_42 : vector<16xi32>
      %select_n3A_44 = arith.select %ge3A_43, %broadcast_in_dim3A_5, %broadcast_in_dim3A_3 : vector<16xi1>, vector<16xi32>
      %add3A_45 = arith.addi %add3A_40, %select_n3A_44 : vector<16xi32>
      %broadcast_in_dim3A_46 = arith.constant 64 : i32
      %broadcast_in_dim3A_47 = vector.broadcast %broadcast_in_dim3A_46 : i32 to vector<16xi32>
      %ge3A_48 = arith.cmpi sge, %abs3A, %broadcast_in_dim3A_47 : vector<16xi32>
      %select_n3A_49 = arith.select %ge3A_48, %broadcast_in_dim3A_5, %broadcast_in_dim3A_3 : vector<16xi1>, vector<16xi32>
      %add3A_50 = arith.addi %add3A_45, %select_n3A_49 : vector<16xi32>
      %broadcast_in_dim3A_51 = arith.constant 91 : i32
      %broadcast_in_dim3A_52 = vector.broadcast %broadcast_in_dim3A_51 : i32 to vector<16xi32>
      %ge3A_53 = arith.cmpi sge, %abs3A, %broadcast_in_dim3A_52 : vector<16xi32>
      %select_n3A_54 = arith.select %ge3A_53, %broadcast_in_dim3A_5, %broadcast_in_dim3A_3 : vector<16xi1>, vector<16xi32>
      %add3A_55 = arith.addi %add3A_50, %select_n3A_54 : vector<16xi32>
      %lt3A = arith.cmpi slt, %abs3A, %broadcast_in_dim3A_9 : vector<16xi32>
      %select_n3A_56 = arith.select %lt3A, %abs3A, %add3A_55 : vector<16xi1>, vector<16xi32>
      %add3A_57 = arith.addi %select_n3A, %select_n3A_56 : vector<16xi32>
      %gather3A = tpu.vector_load_idx %arg5[%add3A_57, %broadcast_in_dim3A] : memref<32x16xf32, #tpu.memory_space<vmem>>[vector<16xi32>, vector<16xi32>], vector<16xf32>,
      %mul3A_58 = arith.constant 16 : i32
      %mul3A_59 = arith.muli %scan3A_15, %mul3A_58 : i32
      %swap3A = arith.index_cast %mul3A_59 : i32 to index
      %swap3A_60 = tpu.vector_load %arg7[%swap3A] {strides = array<i32>} : memref<2176xf32, #tpu.memory_space<vmem>>, vector<16xf32>,
      tpu.vector_store %arg7[%swap3A], %gather3A {strides = array<i32>} : memref<2176xf32, #tpu.memory_space<vmem>>, vector<16xf32>,
    }
    %scan3A_14 = arith.constant 136 : i32
    %run_scoped3A = arith.constant 0 : i32
    "tpu.region"() ({
      %run_scoped3A_15 = tpu.sem_alloc : memref<!tpu.dma_semaphore, #tpu.memory_space<semaphore_mem>>
      %dma_start3A = tpu.memref_slice %arg4[%arg1, %run_scoped3A, %mul3A_1] : memref<16x1x4352xf32, #tpu.memory_space<hbm>> -> memref<1x1x2176xf32, #tpu.memory_space<hbm>>
      %dma_start3A_16 = tpu.memref_squeeze %dma_start3A : memref<1x1x2176xf32, #tpu.memory_space<hbm>> -> memref<2176xf32, #tpu.memory_space<hbm>>
      %dma_start3A_17 = tpu.memref_slice %arg4[%arg1, %run_scoped3A, %mul3A_1] : memref<16x1x4352xf32, #tpu.memory_space<hbm>> -> memref<1x1x2176xf32, #tpu.memory_space<hbm>>
      %dma_start3A_18 = tpu.memref_squeeze %dma_start3A_17 : memref<1x1x2176xf32, #tpu.memory_space<hbm>> -> memref<2176xf32, #tpu.memory_space<hbm>>
      tpu.enqueue_dma source(%arg7 : memref<2176xf32, #tpu.memory_space<vmem>>) target(%dma_start3A_18 : memref<2176xf32, #tpu.memory_space<hbm>>) target_semaphore(%run_scoped3A_15 : memref<!tpu.dma_semaphore, #tpu.memory_space<semaphore_mem>>)
      %dma_wait3A = tpu.memref_slice %arg4[%arg1, %run_scoped3A, %mul3A_1] : memref<16x1x4352xf32, #tpu.memory_space<hbm>> -> memref<1x1x2176xf32, #tpu.memory_space<hbm>>
      %dma_wait3A_19 = tpu.memref_squeeze %dma_wait3A : memref<1x1x2176xf32, #tpu.memory_space<hbm>> -> memref<2176xf32, #tpu.memory_space<hbm>>
      %dma_wait3A_20 = tpu.memref_slice %arg4[%arg1, %run_scoped3A, %mul3A_1] : memref<16x1x4352xf32, #tpu.memory_space<hbm>> -> memref<1x1x2176xf32, #tpu.memory_space<hbm>>
      %dma_wait3A_21 = tpu.memref_squeeze %dma_wait3A_20 : memref<1x1x2176xf32, #tpu.memory_space<hbm>> -> memref<2176xf32, #tpu.memory_space<hbm>>
      tpu.wait_dma2 semaphore(%run_scoped3A_15 : memref<!tpu.dma_semaphore, #tpu.memory_space<semaphore_mem>>) src(%arg7 : memref<2176xf32, #tpu.memory_space<vmem>>) dst(%dma_wait3A_21 : memref<2176xf32, #tpu.memory_space<hbm>>)
      tpu.yield
    }) : () -> ()
    return
  }
}

module attributes {stable_mosaic.version = 14 : i64} {
  func.func @_tc_expand_kernel(%arg0: i32, %arg1: i32, %arg2: memref<1x1x4352xf32, #tpu.memory_space<vmem>>, %arg3: memref<1x1x1024x2048xf32, #tpu.memory_space<vmem>>, %arg4: memref<8x4224xf32, #tpu.memory_space<vmem>>, %arg5: memref<128x4096xf32, #tpu.memory_space<vmem>>) attributes {dimension_semantics = [#tpu.dimension_semantics<arbitrary>, #tpu.dimension_semantics<arbitrary>], iteration_bounds = array<i64: 16, 2>, scalar_prefetch = 0 : i64, scratch_operands = 2 : i64, tpu.core_type = #tpu.core_type<tc>, window_params = [{transform_indices = @transform_0, window_bounds = array<i64: 1, 1, 4352>}, {transform_indices = @transform_1, window_bounds = array<i64: 1, 1, 1024, 2048>}]} {
    %eq3A = arith.constant 0 : i32
    %eq3A_0 = arith.cmpi eq, %arg1, %eq3A : i32
    %convert_element_type3A = arith.extui %eq3A_0 : i1 to i32
    %cond3A = arith.constant 0 : i32
    %cond3A_1 = arith.cmpi ne, %convert_element_type3A, %cond3A : i32
    scf.if %cond3A_1 {
      %get3A_149 = arith.constant 0 : index
      %get3A_150 = arith.constant 0 : index
      %get3A_151 = arith.constant 128 : index
      %get3A_152 = vector.load %arg2[%get3A_149, %get3A_150, %get3A_151] : memref<1x1x4352xf32, #tpu.memory_space<vmem>>, vector<1x1x4224xf32>
      %get3A_153 = vector.shape_cast %get3A_152 : vector<1x1x4224xf32> to vector<1x4224xf32>
      %swap3A_154 = arith.constant 0 : index
      %swap3A_155 = arith.constant 0 : index
      %swap3A_156 = vector.load %arg4[%swap3A_154, %swap3A_155] : memref<8x4224xf32, #tpu.memory_space<vmem>>, vector<1x4224xf32>
      tpu.vector_store %arg4[%swap3A_154, %swap3A_155], %get3A_153 {strides = array<i32>} : memref<8x4224xf32, #tpu.memory_space<vmem>>, vector<1x4224xf32>,
      %get3A_157 = arith.constant 0 : index
      %get3A_158 = arith.constant 0 : index
      %get3A_159 = arith.constant 127 : index
      %get3A_160 = vector.load %arg2[%get3A_157, %get3A_158, %get3A_159] : memref<1x1x4352xf32, #tpu.memory_space<vmem>>, vector<1x1x4224xf32>
      %get3A_161 = vector.shape_cast %get3A_160 : vector<1x1x4224xf32> to vector<1x4224xf32>
      %swap3A_162 = arith.constant 1 : index
      %swap3A_163 = arith.constant 0 : index
      %swap3A_164 = vector.load %arg4[%swap3A_162, %swap3A_163] : memref<8x4224xf32, #tpu.memory_space<vmem>>, vector<1x4224xf32>
      tpu.vector_store %arg4[%swap3A_162, %swap3A_163], %get3A_161 {strides = array<i32>} : memref<8x4224xf32, #tpu.memory_space<vmem>>, vector<1x4224xf32>,
      %get3A_165 = arith.constant 0 : index
      %get3A_166 = arith.constant 0 : index
      %get3A_167 = arith.constant 126 : index
      %get3A_168 = vector.load %arg2[%get3A_165, %get3A_166, %get3A_167] : memref<1x1x4352xf32, #tpu.memory_space<vmem>>, vector<1x1x4224xf32>
      %get3A_169 = vector.shape_cast %get3A_168 : vector<1x1x4224xf32> to vector<1x4224xf32>
      %swap3A_170 = arith.constant 2 : index
      %swap3A_171 = arith.constant 0 : index
      %swap3A_172 = vector.load %arg4[%swap3A_170, %swap3A_171] : memref<8x4224xf32, #tpu.memory_space<vmem>>, vector<1x4224xf32>
      tpu.vector_store %arg4[%swap3A_170, %swap3A_171], %get3A_169 {strides = array<i32>} : memref<8x4224xf32, #tpu.memory_space<vmem>>, vector<1x4224xf32>,
      %get3A_173 = arith.constant 0 : index
      %get3A_174 = arith.constant 0 : index
      %get3A_175 = arith.constant 125 : index
      %get3A_176 = vector.load %arg2[%get3A_173, %get3A_174, %get3A_175] : memref<1x1x4352xf32, #tpu.memory_space<vmem>>, vector<1x1x4224xf32>
      %get3A_177 = vector.shape_cast %get3A_176 : vector<1x1x4224xf32> to vector<1x4224xf32>
      %swap3A_178 = arith.constant 3 : index
      %swap3A_179 = arith.constant 0 : index
      %swap3A_180 = vector.load %arg4[%swap3A_178, %swap3A_179] : memref<8x4224xf32, #tpu.memory_space<vmem>>, vector<1x4224xf32>
      tpu.vector_store %arg4[%swap3A_178, %swap3A_179], %get3A_177 {strides = array<i32>} : memref<8x4224xf32, #tpu.memory_space<vmem>>, vector<1x4224xf32>,
      %get3A_181 = arith.constant 0 : index
      %get3A_182 = arith.constant 0 : index
      %get3A_183 = arith.constant 124 : index
      %get3A_184 = vector.load %arg2[%get3A_181, %get3A_182, %get3A_183] : memref<1x1x4352xf32, #tpu.memory_space<vmem>>, vector<1x1x4224xf32>
      %get3A_185 = vector.shape_cast %get3A_184 : vector<1x1x4224xf32> to vector<1x4224xf32>
      %swap3A_186 = arith.constant 4 : index
      %swap3A_187 = arith.constant 0 : index
      %swap3A_188 = vector.load %arg4[%swap3A_186, %swap3A_187] : memref<8x4224xf32, #tpu.memory_space<vmem>>, vector<1x4224xf32>
      tpu.vector_store %arg4[%swap3A_186, %swap3A_187], %get3A_185 {strides = array<i32>} : memref<8x4224xf32, #tpu.memory_space<vmem>>, vector<1x4224xf32>,
      %get3A_189 = arith.constant 0 : index
      %get3A_190 = arith.constant 0 : index
      %get3A_191 = arith.constant 123 : index
      %get3A_192 = vector.load %arg2[%get3A_189, %get3A_190, %get3A_191] : memref<1x1x4352xf32, #tpu.memory_space<vmem>>, vector<1x1x4224xf32>
      %get3A_193 = vector.shape_cast %get3A_192 : vector<1x1x4224xf32> to vector<1x4224xf32>
      %swap3A_194 = arith.constant 5 : index
      %swap3A_195 = arith.constant 0 : index
      %swap3A_196 = vector.load %arg4[%swap3A_194, %swap3A_195] : memref<8x4224xf32, #tpu.memory_space<vmem>>, vector<1x4224xf32>
      tpu.vector_store %arg4[%swap3A_194, %swap3A_195], %get3A_193 {strides = array<i32>} : memref<8x4224xf32, #tpu.memory_space<vmem>>, vector<1x4224xf32>,
      %get3A_197 = arith.constant 0 : index
      %get3A_198 = arith.constant 0 : index
      %get3A_199 = arith.constant 122 : index
      %get3A_200 = vector.load %arg2[%get3A_197, %get3A_198, %get3A_199] : memref<1x1x4352xf32, #tpu.memory_space<vmem>>, vector<1x1x4224xf32>
      %get3A_201 = vector.shape_cast %get3A_200 : vector<1x1x4224xf32> to vector<1x4224xf32>
      %swap3A_202 = arith.constant 6 : index
      %swap3A_203 = arith.constant 0 : index
      %swap3A_204 = vector.load %arg4[%swap3A_202, %swap3A_203] : memref<8x4224xf32, #tpu.memory_space<vmem>>, vector<1x4224xf32>
      tpu.vector_store %arg4[%swap3A_202, %swap3A_203], %get3A_201 {strides = array<i32>} : memref<8x4224xf32, #tpu.memory_space<vmem>>, vector<1x4224xf32>,
      %get3A_205 = arith.constant 0 : index
      %get3A_206 = arith.constant 0 : index
      %get3A_207 = arith.constant 121 : index
      %get3A_208 = vector.load %arg2[%get3A_205, %get3A_206, %get3A_207] : memref<1x1x4352xf32, #tpu.memory_space<vmem>>, vector<1x1x4224xf32>
      %get3A_209 = vector.shape_cast %get3A_208 : vector<1x1x4224xf32> to vector<1x4224xf32>
      %swap3A_210 = arith.constant 7 : index
      %swap3A_211 = arith.constant 0 : index
      %swap3A_212 = vector.load %arg4[%swap3A_210, %swap3A_211] : memref<8x4224xf32, #tpu.memory_space<vmem>>, vector<1x4224xf32>
      tpu.vector_store %arg4[%swap3A_210, %swap3A_211], %get3A_209 {strides = array<i32>} : memref<8x4224xf32, #tpu.memory_space<vmem>>, vector<1x4224xf32>,
      %get3A_213 = arith.constant 0 : index
      %get3A_214 = arith.constant 128 : index
      %get3A_215 = vector.load %arg4[%get3A_213, %get3A_214] : memref<8x4224xf32, #tpu.memory_space<vmem>>, vector<8x4096xf32>
      %swap3A_216 = arith.constant 0 : index
      %swap3A_217 = arith.constant 0 : index
      %swap3A_218 = vector.load %arg5[%swap3A_216, %swap3A_217] : memref<128x4096xf32, #tpu.memory_space<vmem>>, vector<8x4096xf32>
      tpu.vector_store %arg5[%swap3A_216, %swap3A_217], %get3A_215 {strides = array<i32>} : memref<128x4096xf32, #tpu.memory_space<vmem>>, vector<8x4096xf32>,
      %get3A_219 = arith.constant 0 : index
      %get3A_220 = arith.constant 120 : index
      %get3A_221 = vector.load %arg4[%get3A_219, %get3A_220] : memref<8x4224xf32, #tpu.memory_space<vmem>>, vector<8x4096xf32>
      %swap3A_222 = arith.constant 8 : index
      %swap3A_223 = arith.constant 0 : index
      %swap3A_224 = vector.load %arg5[%swap3A_222, %swap3A_223] : memref<128x4096xf32, #tpu.memory_space<vmem>>, vector<8x4096xf32>
      tpu.vector_store %arg5[%swap3A_222, %swap3A_223], %get3A_221 {strides = array<i32>} : memref<128x4096xf32, #tpu.memory_space<vmem>>, vector<8x4096xf32>,
      %get3A_225 = arith.constant 0 : index
      %get3A_226 = arith.constant 112 : index
      %get3A_227 = vector.load %arg4[%get3A_225, %get3A_226] : memref<8x4224xf32, #tpu.memory_space<vmem>>, vector<8x4096xf32>
      %swap3A_228 = arith.constant 16 : index
      %swap3A_229 = arith.constant 0 : index
      %swap3A_230 = vector.load %arg5[%swap3A_228, %swap3A_229] : memref<128x4096xf32, #tpu.memory_space<vmem>>, vector<8x4096xf32>
      tpu.vector_store %arg5[%swap3A_228, %swap3A_229], %get3A_227 {strides = array<i32>} : memref<128x4096xf32, #tpu.memory_space<vmem>>, vector<8x4096xf32>,
      %get3A_231 = arith.constant 0 : index
      %get3A_232 = arith.constant 104 : index
      %get3A_233 = vector.load %arg4[%get3A_231, %get3A_232] : memref<8x4224xf32, #tpu.memory_space<vmem>>, vector<8x4096xf32>
      %swap3A_234 = arith.constant 24 : index
      %swap3A_235 = arith.constant 0 : index
      %swap3A_236 = vector.load %arg5[%swap3A_234, %swap3A_235] : memref<128x4096xf32, #tpu.memory_space<vmem>>, vector<8x4096xf32>
      tpu.vector_store %arg5[%swap3A_234, %swap3A_235], %get3A_233 {strides = array<i32>} : memref<128x4096xf32, #tpu.memory_space<vmem>>, vector<8x4096xf32>,
      %get3A_237 = arith.constant 0 : index
      %get3A_238 = arith.constant 96 : index
      %get3A_239 = vector.load %arg4[%get3A_237, %get3A_238] : memref<8x4224xf32, #tpu.memory_space<vmem>>, vector<8x4096xf32>
      %swap3A_240 = arith.constant 32 : index
      %swap3A_241 = arith.constant 0 : index
      %swap3A_242 = vector.load %arg5[%swap3A_240, %swap3A_241] : memref<128x4096xf32, #tpu.memory_space<vmem>>, vector<8x4096xf32>
      tpu.vector_store %arg5[%swap3A_240, %swap3A_241], %get3A_239 {strides = array<i32>} : memref<128x4096xf32, #tpu.memory_space<vmem>>, vector<8x4096xf32>,
      %get3A_243 = arith.constant 0 : index
      %get3A_244 = arith.constant 88 : index
      %get3A_245 = vector.load %arg4[%get3A_243, %get3A_244] : memref<8x4224xf32, #tpu.memory_space<vmem>>, vector<8x4096xf32>
      %swap3A_246 = arith.constant 40 : index
      %swap3A_247 = arith.constant 0 : index
      %swap3A_248 = vector.load %arg5[%swap3A_246, %swap3A_247] : memref<128x4096xf32, #tpu.memory_space<vmem>>, vector<8x4096xf32>
      tpu.vector_store %arg5[%swap3A_246, %swap3A_247], %get3A_245 {strides = array<i32>} : memref<128x4096xf32, #tpu.memory_space<vmem>>, vector<8x4096xf32>,
      %get3A_249 = arith.constant 0 : index
      %get3A_250 = arith.constant 80 : index
      %get3A_251 = vector.load %arg4[%get3A_249, %get3A_250] : memref<8x4224xf32, #tpu.memory_space<vmem>>, vector<8x4096xf32>
      %swap3A_252 = arith.constant 48 : index
      %swap3A_253 = arith.constant 0 : index
      %swap3A_254 = vector.load %arg5[%swap3A_252, %swap3A_253] : memref<128x4096xf32, #tpu.memory_space<vmem>>, vector<8x4096xf32>
      tpu.vector_store %arg5[%swap3A_252, %swap3A_253], %get3A_251 {strides = array<i32>} : memref<128x4096xf32, #tpu.memory_space<vmem>>, vector<8x4096xf32>,
      %get3A_255 = arith.constant 0 : index
      %get3A_256 = arith.constant 72 : index
      %get3A_257 = vector.load %arg4[%get3A_255, %get3A_256] : memref<8x4224xf32, #tpu.memory_space<vmem>>, vector<8x4096xf32>
      %swap3A_258 = arith.constant 56 : index
      %swap3A_259 = arith.constant 0 : index
      %swap3A_260 = vector.load %arg5[%swap3A_258, %swap3A_259] : memref<128x4096xf32, #tpu.memory_space<vmem>>, vector<8x4096xf32>
      tpu.vector_store %arg5[%swap3A_258, %swap3A_259], %get3A_257 {strides = array<i32>} : memref<128x4096xf32, #tpu.memory_space<vmem>>, vector<8x4096xf32>,
      %get3A_261 = arith.constant 0 : index
      %get3A_262 = arith.constant 64 : index
      %get3A_263 = vector.load %arg4[%get3A_261, %get3A_262] : memref<8x4224xf32, #tpu.memory_space<vmem>>, vector<8x4096xf32>
      %swap3A_264 = arith.constant 64 : index
      %swap3A_265 = arith.constant 0 : index
      %swap3A_266 = vector.load %arg5[%swap3A_264, %swap3A_265] : memref<128x4096xf32, #tpu.memory_space<vmem>>, vector<8x4096xf32>
      tpu.vector_store %arg5[%swap3A_264, %swap3A_265], %get3A_263 {strides = array<i32>} : memref<128x4096xf32, #tpu.memory_space<vmem>>, vector<8x4096xf32>,
      %get3A_267 = arith.constant 0 : index
      %get3A_268 = arith.constant 56 : index
      %get3A_269 = vector.load %arg4[%get3A_267, %get3A_268] : memref<8x4224xf32, #tpu.memory_space<vmem>>, vector<8x4096xf32>
      %swap3A_270 = arith.constant 72 : index
      %swap3A_271 = arith.constant 0 : index
      %swap3A_272 = vector.load %arg5[%swap3A_270, %swap3A_271] : memref<128x4096xf32, #tpu.memory_space<vmem>>, vector<8x4096xf32>
      tpu.vector_store %arg5[%swap3A_270, %swap3A_271], %get3A_269 {strides = array<i32>} : memref<128x4096xf32, #tpu.memory_space<vmem>>, vector<8x4096xf32>,
      %get3A_273 = arith.constant 0 : index
      %get3A_274 = arith.constant 48 : index
      %get3A_275 = vector.load %arg4[%get3A_273, %get3A_274] : memref<8x4224xf32, #tpu.memory_space<vmem>>, vector<8x4096xf32>
      %swap3A_276 = arith.constant 80 : index
      %swap3A_277 = arith.constant 0 : index
      %swap3A_278 = vector.load %arg5[%swap3A_276, %swap3A_277] : memref<128x4096xf32, #tpu.memory_space<vmem>>, vector<8x4096xf32>
      tpu.vector_store %arg5[%swap3A_276, %swap3A_277], %get3A_275 {strides = array<i32>} : memref<128x4096xf32, #tpu.memory_space<vmem>>, vector<8x4096xf32>,
      %get3A_279 = arith.constant 0 : index
      %get3A_280 = arith.constant 40 : index
      %get3A_281 = vector.load %arg4[%get3A_279, %get3A_280] : memref<8x4224xf32, #tpu.memory_space<vmem>>, vector<8x4096xf32>
      %swap3A_282 = arith.constant 88 : index
      %swap3A_283 = arith.constant 0 : index
      %swap3A_284 = vector.load %arg5[%swap3A_282, %swap3A_283] : memref<128x4096xf32, #tpu.memory_space<vmem>>, vector<8x4096xf32>
      tpu.vector_store %arg5[%swap3A_282, %swap3A_283], %get3A_281 {strides = array<i32>} : memref<128x4096xf32, #tpu.memory_space<vmem>>, vector<8x4096xf32>,
      %get3A_285 = arith.constant 0 : index
      %get3A_286 = arith.constant 32 : index
      %get3A_287 = vector.load %arg4[%get3A_285, %get3A_286] : memref<8x4224xf32, #tpu.memory_space<vmem>>, vector<8x4096xf32>
      %swap3A_288 = arith.constant 96 : index
      %swap3A_289 = arith.constant 0 : index
      %swap3A_290 = vector.load %arg5[%swap3A_288, %swap3A_289] : memref<128x4096xf32, #tpu.memory_space<vmem>>, vector<8x4096xf32>
      tpu.vector_store %arg5[%swap3A_288, %swap3A_289], %get3A_287 {strides = array<i32>} : memref<128x4096xf32, #tpu.memory_space<vmem>>, vector<8x4096xf32>,
      %get3A_291 = arith.constant 0 : index
      %get3A_292 = arith.constant 24 : index
      %get3A_293 = vector.load %arg4[%get3A_291, %get3A_292] : memref<8x4224xf32, #tpu.memory_space<vmem>>, vector<8x4096xf32>
      %swap3A_294 = arith.constant 104 : index
      %swap3A_295 = arith.constant 0 : index
      %swap3A_296 = vector.load %arg5[%swap3A_294, %swap3A_295] : memref<128x4096xf32, #tpu.memory_space<vmem>>, vector<8x4096xf32>
      tpu.vector_store %arg5[%swap3A_294, %swap3A_295], %get3A_293 {strides = array<i32>} : memref<128x4096xf32, #tpu.memory_space<vmem>>, vector<8x4096xf32>,
      %get3A_297 = arith.constant 0 : index
      %get3A_298 = arith.constant 16 : index
      %get3A_299 = vector.load %arg4[%get3A_297, %get3A_298] : memref<8x4224xf32, #tpu.memory_space<vmem>>, vector<8x4096xf32>
      %swap3A_300 = arith.constant 112 : index
      %swap3A_301 = arith.constant 0 : index
      %swap3A_302 = vector.load %arg5[%swap3A_300, %swap3A_301] : memref<128x4096xf32, #tpu.memory_space<vmem>>, vector<8x4096xf32>
      tpu.vector_store %arg5[%swap3A_300, %swap3A_301], %get3A_299 {strides = array<i32>} : memref<128x4096xf32, #tpu.memory_space<vmem>>, vector<8x4096xf32>,
      %get3A_303 = arith.constant 0 : index
      %get3A_304 = arith.constant 8 : index
      %get3A_305 = vector.load %arg4[%get3A_303, %get3A_304] : memref<8x4224xf32, #tpu.memory_space<vmem>>, vector<8x4096xf32>
      %swap3A_306 = arith.constant 120 : index
      %swap3A_307 = arith.constant 0 : index
      %swap3A_308 = vector.load %arg5[%swap3A_306, %swap3A_307] : memref<128x4096xf32, #tpu.memory_space<vmem>>, vector<8x4096xf32>
      tpu.vector_store %arg5[%swap3A_306, %swap3A_307], %get3A_305 {strides = array<i32>} : memref<128x4096xf32, #tpu.memory_space<vmem>>, vector<8x4096xf32>,
    } else {
    }
    %mul3A = arith.constant 8 : i32
    %mul3A_2 = arith.muli %mul3A, %arg1 : i32
    %sub3A = arith.constant 15 : i32
    %sub3A_3 = arith.subi %sub3A, %mul3A_2 : i32
    %sub3A_4 = arith.constant 0 : i32
    %sub3A_5 = arith.subi %sub3A_3, %sub3A_4 : i32
    %mul3A_6 = arith.constant 128 : i32
    %mul3A_7 = arith.muli %mul3A_6, %sub3A_5 : i32
    %multiple_of3A = tpu.assume_multiple %mul3A_7, 128 : i32
    %get3A = arith.constant 0 : index
    %get3A_8 = arith.index_cast %multiple_of3A : i32 to index
    %get3A_9 = vector.load %arg5[%get3A, %get3A_8] : memref<128x4096xf32, #tpu.memory_space<vmem>>, vector<128x2048xf32>
    %swap3A = arith.constant 0 : index
    %swap3A_10 = arith.constant 0 : index
    %swap3A_11 = arith.constant 0 : index
    %swap3A_12 = arith.constant 0 : index
    %swap3A_13 = vector.load %arg3[%swap3A, %swap3A_10, %swap3A_11, %swap3A_12] : memref<1x1x1024x2048xf32, #tpu.memory_space<vmem>>, vector<1x1x128x2048xf32>
    %swap3A_14 = vector.shape_cast %swap3A_13 : vector<1x1x128x2048xf32> to vector<128x2048xf32>
    %swap3A_15 = vector.shape_cast %get3A_9 : vector<128x2048xf32> to vector<1x1x128x2048xf32>
    tpu.vector_store %arg3[%swap3A, %swap3A_10, %swap3A_11, %swap3A_12], %swap3A_15 {strides = array<i32>} : memref<1x1x1024x2048xf32, #tpu.memory_space<vmem>>, vector<1x1x128x2048xf32>,
    %mul3A_16 = arith.constant 8 : i32
    %mul3A_17 = arith.muli %mul3A_16, %arg1 : i32
    %sub3A_18 = arith.constant 15 : i32
    %sub3A_19 = arith.subi %sub3A_18, %mul3A_17 : i32
    %sub3A_20 = arith.constant 1 : i32
    %sub3A_21 = arith.subi %sub3A_19, %sub3A_20 : i32
    %mul3A_22 = arith.constant 128 : i32
    %mul3A_23 = arith.muli %mul3A_22, %sub3A_21 : i32
    %multiple_of3A_24 = tpu.assume_multiple %mul3A_23, 128 : i32
    %get3A_25 = arith.constant 0 : index
    %get3A_26 = arith.index_cast %multiple_of3A_24 : i32 to index
    %get3A_27 = vector.load %arg5[%get3A_25, %get3A_26] : memref<128x4096xf32, #tpu.memory_space<vmem>>, vector<128x2048xf32>
    %swap3A_28 = arith.constant 0 : index
    %swap3A_29 = arith.constant 0 : index
    %swap3A_30 = arith.constant 128 : index
    %swap3A_31 = arith.constant 0 : index
    %swap3A_32 = vector.load %arg3[%swap3A_28, %swap3A_29, %swap3A_30, %swap3A_31] : memref<1x1x1024x2048xf32, #tpu.memory_space<vmem>>, vector<1x1x128x2048xf32>
    %swap3A_33 = vector.shape_cast %swap3A_32 : vector<1x1x128x2048xf32> to vector<128x2048xf32>
    %swap3A_34 = vector.shape_cast %get3A_27 : vector<128x2048xf32> to vector<1x1x128x2048xf32>
    tpu.vector_store %arg3[%swap3A_28, %swap3A_29, %swap3A_30, %swap3A_31], %swap3A_34 {strides = array<i32>} : memref<1x1x1024x2048xf32, #tpu.memory_space<vmem>>, vector<1x1x128x2048xf32>,
    %mul3A_35 = arith.constant 8 : i32
    %mul3A_36 = arith.muli %mul3A_35, %arg1 : i32
    %sub3A_37 = arith.constant 15 : i32
    %sub3A_38 = arith.subi %sub3A_37, %mul3A_36 : i32
    %sub3A_39 = arith.constant 2 : i32
    %sub3A_40 = arith.subi %sub3A_38, %sub3A_39 : i32
    %mul3A_41 = arith.constant 128 : i32
    %mul3A_42 = arith.muli %mul3A_41, %sub3A_40 : i32
    %multiple_of3A_43 = tpu.assume_multiple %mul3A_42, 128 : i32
    %get3A_44 = arith.constant 0 : index
    %get3A_45 = arith.index_cast %multiple_of3A_43 : i32 to index
    %get3A_46 = vector.load %arg5[%get3A_44, %get3A_45] : memref<128x4096xf32, #tpu.memory_space<vmem>>, vector<128x2048xf32>
    %swap3A_47 = arith.constant 0 : index
    %swap3A_48 = arith.constant 0 : index
    %swap3A_49 = arith.constant 256 : index
    %swap3A_50 = arith.constant 0 : index
    %swap3A_51 = vector.load %arg3[%swap3A_47, %swap3A_48, %swap3A_49, %swap3A_50] : memref<1x1x1024x2048xf32, #tpu.memory_space<vmem>>, vector<1x1x128x2048xf32>
    %swap3A_52 = vector.shape_cast %swap3A_51 : vector<1x1x128x2048xf32> to vector<128x2048xf32>
    %swap3A_53 = vector.shape_cast %get3A_46 : vector<128x2048xf32> to vector<1x1x128x2048xf32>
    tpu.vector_store %arg3[%swap3A_47, %swap3A_48, %swap3A_49, %swap3A_50], %swap3A_53 {strides = array<i32>} : memref<1x1x1024x2048xf32, #tpu.memory_space<vmem>>, vector<1x1x128x2048xf32>,
    %mul3A_54 = arith.constant 8 : i32
    %mul3A_55 = arith.muli %mul3A_54, %arg1 : i32
    %sub3A_56 = arith.constant 15 : i32
    %sub3A_57 = arith.subi %sub3A_56, %mul3A_55 : i32
    %sub3A_58 = arith.constant 3 : i32
    %sub3A_59 = arith.subi %sub3A_57, %sub3A_58 : i32
    %mul3A_60 = arith.constant 128 : i32
    %mul3A_61 = arith.muli %mul3A_60, %sub3A_59 : i32
    %multiple_of3A_62 = tpu.assume_multiple %mul3A_61, 128 : i32
    %get3A_63 = arith.constant 0 : index
    %get3A_64 = arith.index_cast %multiple_of3A_62 : i32 to index
    %get3A_65 = vector.load %arg5[%get3A_63, %get3A_64] : memref<128x4096xf32, #tpu.memory_space<vmem>>, vector<128x2048xf32>
    %swap3A_66 = arith.constant 0 : index
    %swap3A_67 = arith.constant 0 : index
    %swap3A_68 = arith.constant 384 : index
    %swap3A_69 = arith.constant 0 : index
    %swap3A_70 = vector.load %arg3[%swap3A_66, %swap3A_67, %swap3A_68, %swap3A_69] : memref<1x1x1024x2048xf32, #tpu.memory_space<vmem>>, vector<1x1x128x2048xf32>
    %swap3A_71 = vector.shape_cast %swap3A_70 : vector<1x1x128x2048xf32> to vector<128x2048xf32>
    %swap3A_72 = vector.shape_cast %get3A_65 : vector<128x2048xf32> to vector<1x1x128x2048xf32>
    tpu.vector_store %arg3[%swap3A_66, %swap3A_67, %swap3A_68, %swap3A_69], %swap3A_72 {strides = array<i32>} : memref<1x1x1024x2048xf32, #tpu.memory_space<vmem>>, vector<1x1x128x2048xf32>,
    %mul3A_73 = arith.constant 8 : i32
    %mul3A_74 = arith.muli %mul3A_73, %arg1 : i32
    %sub3A_75 = arith.constant 15 : i32
    %sub3A_76 = arith.subi %sub3A_75, %mul3A_74 : i32
    %sub3A_77 = arith.constant 4 : i32
    %sub3A_78 = arith.subi %sub3A_76, %sub3A_77 : i32
    %mul3A_79 = arith.constant 128 : i32
    %mul3A_80 = arith.muli %mul3A_79, %sub3A_78 : i32
    %multiple_of3A_81 = tpu.assume_multiple %mul3A_80, 128 : i32
    %get3A_82 = arith.constant 0 : index
    %get3A_83 = arith.index_cast %multiple_of3A_81 : i32 to index
    %get3A_84 = vector.load %arg5[%get3A_82, %get3A_83] : memref<128x4096xf32, #tpu.memory_space<vmem>>, vector<128x2048xf32>
    %swap3A_85 = arith.constant 0 : index
    %swap3A_86 = arith.constant 0 : index
    %swap3A_87 = arith.constant 512 : index
    %swap3A_88 = arith.constant 0 : index
    %swap3A_89 = vector.load %arg3[%swap3A_85, %swap3A_86, %swap3A_87, %swap3A_88] : memref<1x1x1024x2048xf32, #tpu.memory_space<vmem>>, vector<1x1x128x2048xf32>
    %swap3A_90 = vector.shape_cast %swap3A_89 : vector<1x1x128x2048xf32> to vector<128x2048xf32>
    %swap3A_91 = vector.shape_cast %get3A_84 : vector<128x2048xf32> to vector<1x1x128x2048xf32>
    tpu.vector_store %arg3[%swap3A_85, %swap3A_86, %swap3A_87, %swap3A_88], %swap3A_91 {strides = array<i32>} : memref<1x1x1024x2048xf32, #tpu.memory_space<vmem>>, vector<1x1x128x2048xf32>,
    %mul3A_92 = arith.constant 8 : i32
    %mul3A_93 = arith.muli %mul3A_92, %arg1 : i32
    %sub3A_94 = arith.constant 15 : i32
    %sub3A_95 = arith.subi %sub3A_94, %mul3A_93 : i32
    %sub3A_96 = arith.constant 5 : i32
    %sub3A_97 = arith.subi %sub3A_95, %sub3A_96 : i32
    %mul3A_98 = arith.constant 128 : i32
    %mul3A_99 = arith.muli %mul3A_98, %sub3A_97 : i32
    %multiple_of3A_100 = tpu.assume_multiple %mul3A_99, 128 : i32
    %get3A_101 = arith.constant 0 : index
    %get3A_102 = arith.index_cast %multiple_of3A_100 : i32 to index
    %get3A_103 = vector.load %arg5[%get3A_101, %get3A_102] : memref<128x4096xf32, #tpu.memory_space<vmem>>, vector<128x2048xf32>
    %swap3A_104 = arith.constant 0 : index
    %swap3A_105 = arith.constant 0 : index
    %swap3A_106 = arith.constant 640 : index
    %swap3A_107 = arith.constant 0 : index
    %swap3A_108 = vector.load %arg3[%swap3A_104, %swap3A_105, %swap3A_106, %swap3A_107] : memref<1x1x1024x2048xf32, #tpu.memory_space<vmem>>, vector<1x1x128x2048xf32>
    %swap3A_109 = vector.shape_cast %swap3A_108 : vector<1x1x128x2048xf32> to vector<128x2048xf32>
    %swap3A_110 = vector.shape_cast %get3A_103 : vector<128x2048xf32> to vector<1x1x128x2048xf32>
    tpu.vector_store %arg3[%swap3A_104, %swap3A_105, %swap3A_106, %swap3A_107], %swap3A_110 {strides = array<i32>} : memref<1x1x1024x2048xf32, #tpu.memory_space<vmem>>, vector<1x1x128x2048xf32>,
    %mul3A_111 = arith.constant 8 : i32
    %mul3A_112 = arith.muli %mul3A_111, %arg1 : i32
    %sub3A_113 = arith.constant 15 : i32
    %sub3A_114 = arith.subi %sub3A_113, %mul3A_112 : i32
    %sub3A_115 = arith.constant 6 : i32
    %sub3A_116 = arith.subi %sub3A_114, %sub3A_115 : i32
    %mul3A_117 = arith.constant 128 : i32
    %mul3A_118 = arith.muli %mul3A_117, %sub3A_116 : i32
    %multiple_of3A_119 = tpu.assume_multiple %mul3A_118, 128 : i32
    %get3A_120 = arith.constant 0 : index
    %get3A_121 = arith.index_cast %multiple_of3A_119 : i32 to index
    %get3A_122 = vector.load %arg5[%get3A_120, %get3A_121] : memref<128x4096xf32, #tpu.memory_space<vmem>>, vector<128x2048xf32>
    %swap3A_123 = arith.constant 0 : index
    %swap3A_124 = arith.constant 0 : index
    %swap3A_125 = arith.constant 768 : index
    %swap3A_126 = arith.constant 0 : index
    %swap3A_127 = vector.load %arg3[%swap3A_123, %swap3A_124, %swap3A_125, %swap3A_126] : memref<1x1x1024x2048xf32, #tpu.memory_space<vmem>>, vector<1x1x128x2048xf32>
    %swap3A_128 = vector.shape_cast %swap3A_127 : vector<1x1x128x2048xf32> to vector<128x2048xf32>
    %swap3A_129 = vector.shape_cast %get3A_122 : vector<128x2048xf32> to vector<1x1x128x2048xf32>
    tpu.vector_store %arg3[%swap3A_123, %swap3A_124, %swap3A_125, %swap3A_126], %swap3A_129 {strides = array<i32>} : memref<1x1x1024x2048xf32, #tpu.memory_space<vmem>>, vector<1x1x128x2048xf32>,
    %mul3A_130 = arith.constant 8 : i32
    %mul3A_131 = arith.muli %mul3A_130, %arg1 : i32
    %sub3A_132 = arith.constant 15 : i32
    %sub3A_133 = arith.subi %sub3A_132, %mul3A_131 : i32
    %sub3A_134 = arith.constant 7 : i32
    %sub3A_135 = arith.subi %sub3A_133, %sub3A_134 : i32
    %mul3A_136 = arith.constant 128 : i32
    %mul3A_137 = arith.muli %mul3A_136, %sub3A_135 : i32
    %multiple_of3A_138 = tpu.assume_multiple %mul3A_137, 128 : i32
    %get3A_139 = arith.constant 0 : index
    %get3A_140 = arith.index_cast %multiple_of3A_138 : i32 to index
    %get3A_141 = vector.load %arg5[%get3A_139, %get3A_140] : memref<128x4096xf32, #tpu.memory_space<vmem>>, vector<128x2048xf32>
    %swap3A_142 = arith.constant 0 : index
    %swap3A_143 = arith.constant 0 : index
    %swap3A_144 = arith.constant 896 : index
    %swap3A_145 = arith.constant 0 : index
    %swap3A_146 = vector.load %arg3[%swap3A_142, %swap3A_143, %swap3A_144, %swap3A_145] : memref<1x1x1024x2048xf32, #tpu.memory_space<vmem>>, vector<1x1x128x2048xf32>
    %swap3A_147 = vector.shape_cast %swap3A_146 : vector<1x1x128x2048xf32> to vector<128x2048xf32>
    %swap3A_148 = vector.shape_cast %get3A_141 : vector<128x2048xf32> to vector<1x1x128x2048xf32>
    tpu.vector_store %arg3[%swap3A_142, %swap3A_143, %swap3A_144, %swap3A_145], %swap3A_148 {strides = array<i32>} : memref<1x1x1024x2048xf32, #tpu.memory_space<vmem>>, vector<1x1x128x2048xf32>,
    return
  }
  func.func @transform_0(%arg0: i32, %arg1: i32) -> (i32, i32, i32) {
    %c0_i32 = arith.constant 0 : i32
    %c0_i32_0 = arith.constant 0 : i32
    %c0_i32_1 = arith.constant 0 : i32
    return %arg0, %c0_i32, %c0_i32_0 : i32, i32, i32
  }
  func.func @transform_1(%arg0: i32, %arg1: i32) -> (i32, i32, i32, i32) {
    %c0_i32 = arith.constant 0 : i32
    %c0_i32_0 = arith.constant 0 : i32
    %c0_i32_1 = arith.constant 0 : i32
    return %c0_i32, %arg0, %arg1, %c0_i32_0 : i32, i32, i32, i32
  }
}

</mosaic_0001>

<sc_bundles>
// kernel: kernel.4.cloned.1.call-start
scs
__scs_entry_jumppad:
0x0: {  	(pc) =	sbr.rel $0x88, $3  }
0x1: {  	(tag) =	ssettag $0x0;
	lr =	simm.s32 $0x1  }
0x2: {  	[smem:$0x3F9E] =	sst lr;
	_ =	strace $0xD0000000  }
0x3: {  	_ = 	snop  }
0x4: {  	_ = 	snop  }
0x5: {  	_ = 	snop  }
0x6: {  	_ = 	snop  }
0x7: {  	_ = 	snop  }
__scs_overlays_trampoline_lowered:
0x8: {  	[smem:$0x3FAD] =	sst s0  }
0x9: {  	[smem:$0x3FAE] =	sst s1  }
0xa: {  	[smem:$0x3FAF] =	sst s2  }
0xb: {  	[smem:$0x3FB0] =	sst s3  }
0xc: {  	[smem:$0x3FB1] =	sst s4  }
0xd: {  	[smem:$0x3FB2] =	sst s5  }
0xe: {  	[smem:$0x3FB3] =	sst s6  }
0xf: {  	[smem:$0x3FB4] =	sst s7  }
0x10: {  	[smem:$0x3FB5] =	sst s8  }
0x11: {  	[smem:$0x3FB6] =	sst s9;
	s0 =	simm.s32 @!p0 $0x0  }
0x12: {  	s1 =	sld [smem:$0x3F9C];
	s0 =	simm.s32 @p0 $0x1  }
0x13: {  	[smem:$0x3FB7] =	sst s0;
	s0 =	simm.s32 @!p1 $0x0  }
0x14: {  	s2 =	sld [smem:$0x3F9B];
	s0 =	simm.s32 @p1 $0x1  }
0x15: {  	[smem:$0x3FB8] =	sst s0;
	s0 =	simm.s32 @!p2 $0x0  }
0x16: {  	s3 =	sld [smem:$0x3FDB];
	s0 =	simm.s32 @p2 $0x1  }
0x17: {  	s4 =	simm.s32 $0x1BF5;
	[smem:$0x3FBA] =	sst s0  }
0x18: {  	s0 =	sld [smem:$0x3F9D];
	_ =	swait.ge [sflag:s4], $0x0  }
0x19: {  	s7 =	sld [smem:$0x3F9E]  }
0x1a: {  	s8 =	sadd.s32 $0xFFFFE003, lr  }
0x1b: {  	s9 =	sadd.s32 $0xFFFFFEF7, lr;
	s5 =	simm.s32 $0xFFFFFFFF;
	p2 =	slt.u32 s8, $0xFFFFF086  }
0x1c: {  	p1 =	slt.u32 s9, $0xF7A;
	s5 =	simm.s32 @!p2 $0x0  }
0x1d: {  	s5 =	simm.s32 @p1 $0x1;
	p0 =	seq.s32 s7, s2  }
0x1e: {  	s7 =	smul.u32 @!p0 $0xF7A, s2;
	p2 =	seq.s32 @!p0 s5, $0x0  }
0x1f: {  	s9 =	smul.u32 $0xF7A, s1;
	s8 =	simm.s32 @!p0 $0x1BF5;
	p2 =	por !p2, p0  }
0x20: {  	[sflag:s8] =	ssyncset.s32 @!p0 $0xFFFFF086;
	s6 =	sadd.s32 @!p0 s3, s7;
	s7 =	simm.s32 @!p0 $0x108  }
0x21: {  	s3 =	sadd.s32 s3, s9;
	s6 =	sadd.s32 @!p0 $0x88, s6;
	s7 =	simm.s32 @p2 $0x1082  }
0x22: {  	[simem:s7], [sflag:s8] =	dma.local @!p0 [hbm:s6], $0xF7A  }
0x23: {  	s9 =	sor.u32 $0xD0000000, s2;
	s6 =	simm.s32 $0x108;
	_ =	swait.ge @!p0 [sflag:s8], $0x0  }
0x24: {  	s3 =	sadd.s32 $0x88, s3;
	s6 =	simm.s32 @!p1 $0x1082;
	[sflag:s4] =	ssyncset.s32 $0xFFFFF086  }
0x25: {  	[simem:s6], [sflag:s4] =	dma.local [hbm:s3], $0xF7A  }
0x26: {  	[smem:$0x3F9E] =	sst s1;
	(tag) =	ssettag s2;
	_ =	strace s9  }
0x27: {  	s1 =	sld [smem:$0x3FAE]  }
0x28: {  	s2 =	sld [smem:$0x3FAF]  }
0x29: {  	s4 =	sld [smem:$0x3FB1]  }
0x2a: {  	p0 =	seq.s32 s5, $0x0;
	s5 =	sld [smem:$0x3FB2]  }
0x2b: {  	s6 =	sld [smem:$0x3FB3]  }
0x2c: {  	s7 =	sld [smem:$0x3FB4]  }
0x2d: {  	s3 =	simm.s32 $0x108;
	s8 =	sld [smem:$0x3FB5]  }
0x2e: {  	s3 =	simm.s32 @!p0 $0x1082;
	s9 =	sld [smem:$0x3FB6]  }
0x2f: {  	lr =	sadd.s32 s0, s3;
	s0 =	sld [smem:$0x3FAD]  }
0x30: {  	s3 =	sld [smem:$0x3FB0]  }
0x31: {  	[smem:$0x3FB9] =	sst s10  }
0x32: {  	s10 =	sld [smem:$0x3FB7];
	_ =	sdelay $0x3  }
0x33: {  	p0 =	seq.s32 s10, $0x1;
	s10 =	sld [smem:$0x3FB9];
	_ =	sdelay $0x3  }
0x34: {  	[smem:$0x3FB9] =	sst s10  }
0x35: {  	s10 =	sld [smem:$0x3FB8];
	_ =	sdelay $0x3  }
0x36: {  	p1 =	seq.s32 s10, $0x1;
	s10 =	sld [smem:$0x3FB9];
	_ =	sdelay $0x3  }
0x37: {  	[smem:$0x3FB9] =	sst s10  }
0x38: {  	s10 =	sld [smem:$0x3FBA]  }
0x39: {  	_ = 	snop;
	(pc) =	sbr.ind lr, $3  }
0x3a: {  	_ = 	snop  }
0x3b: {  	_ = 	snop  }
0x3c: {  	p2 =	seq.s32 s10, $0x1;
	s10 =	sld [smem:$0x3FB9]  }
0x3d: {  	_ =	shalt  }
0x3e: {  	_ =	shalt  }
0x3f: {  	_ =	shalt  }
0x40: {  	_ =	shalt  }
0x41: {  	_ =	shalt  }
0x42: {  	_ =	shalt  }
0x43: {  	_ =	shalt  }
0x44: {  	_ =	shalt  }
0x45: {  	_ =	shalt  }
0x46: {  	_ =	shalt  }
0x47: {  	_ =	shalt  }
0x48: {  	_ =	shalt  }
0x49: {  	_ =	shalt  }
0x4a: {  	_ =	shalt  }
0x4b: {  	_ =	shalt  }
0x4c: {  	_ =	shalt  }
0x4d: {  	_ =	shalt  }
0x4e: {  	_ =	shalt  }
0x4f: {  	_ =	shalt  }
0x50: {  	_ =	shalt  }
0x51: {  	_ =	shalt  }
0x52: {  	_ =	shalt  }
0x53: {  	_ =	shalt  }
0x54: {  	_ =	shalt  }
0x55: {  	_ =	shalt  }
0x56: {  	_ =	shalt  }
0x57: {  	_ =	shalt  }
0x58: {  	_ =	shalt  }
0x59: {  	_ =	shalt  }
0x5a: {  	_ =	shalt  }
0x5b: {  	_ =	shalt  }
0x5c: {  	_ =	shalt  }
0x5d: {  	_ =	shalt  }
0x5e: {  	_ =	shalt  }
0x5f: {  	_ =	shalt  }
0x60: {  	_ =	shalt  }
0x61: {  	_ =	shalt  }
0x62: {  	_ =	shalt  }
0x63: {  	_ =	shalt  }
0x64: {  	_ =	shalt  }
0x65: {  	_ =	shalt  }
0x66: {  	_ =	shalt  }
0x67: {  	_ =	shalt  }
0x68: {  	_ =	shalt  }
0x69: {  	_ =	shalt  }
0x6a: {  	_ =	shalt  }
0x6b: {  	_ =	shalt  }
0x6c: {  	_ =	shalt  }
0x6d: {  	_ =	shalt  }
0x6e: {  	_ =	shalt  }
0x6f: {  	_ =	shalt  }
0x70: {  	_ =	shalt  }
0x71: {  	_ =	shalt  }
0x72: {  	_ =	shalt  }
0x73: {  	_ =	shalt  }
0x74: {  	_ =	shalt  }
0x75: {  	_ =	shalt  }
0x76: {  	_ =	shalt  }
0x77: {  	_ =	shalt  }
0x78: {  	_ =	shalt  }
0x79: {  	_ =	shalt  }
0x7a: {  	_ =	shalt  }
0x7b: {  	_ =	shalt  }
0x7c: {  	_ =	shalt  }
0x7d: {  	_ =	shalt  }
0x7e: {  	_ =	shalt  }
0x7f: {  	_ =	shalt  }
0x80: {  	_ =	shalt  }
0x81: {  	_ =	shalt  }
0x82: {  	_ =	shalt  }
0x83: {  	_ =	shalt  }
0x84: {  	_ =	shalt  }
0x85: {  	_ =	shalt  }
0x86: {  	_ =	shalt  }
0x87: {  	_ =	shalt  }
.Lfunc_end0:
.L_simem_size_0:
called_computation_lowered:
.L_overlay_start_0:
0x88: {  	s2 =	sld [smem:$0x3FD9]  }
0x89: {  	s3 =	sld [smem:$0x3FFE];
	_ =	sdelay $0x1  }
0x8a: {  	s1 =	srdreg.scid  }
0x8b: {  	s0 =	sand.u32 $0x1, s1  }
0x8c: {  	s17 =	sshll.u32 s0, $0xA;
	s2 =	sadd.s32 s3, s2  }
0x8d: {  	s2 =	sadd.s32 s2, s17  }
0x8e: {  	[smem:$0x3FC5] =	sst s2  }
0x8f: {  	_ = 	snop  }
0x90: {  	s2 =	sld [smem:$0x3FD0];
	(tm) =	ssettm $0x1  }
0x91: {  	s18 =	sld [smem:$0x3FFB];
	_ =	sdelay $0x3  }
0x92: {  	_ =	strace s18  }
0x93: {  	s3 =	sld [smem:$0x3FFC];
	_ =	sdelay $0x3  }
0x94: {  	_ =	strace s3  }
0x95: {  	s3 =	sld [smem:$0x3FFD];
	_ =	sdelay $0x3  }
0x96: {  	_ =	strace s3  }
0x97: {  	_ =	strace $0x8FFFFFFF  }
0x98: {  	s19 =	sld [smem:$0x3FDB];
	_ =	sdelay $0x1  }
0x99: {  	s4 =	simm.s32 $_scs_section_size  }
0x9a: {  	s5 =	simm.s32 $_size__tile_overlayer_lowered;
	s6 =	simm.s32 $_tile_overlayer_lowered  }
0x9b: {  	s22 =	simm.s32 $0x1BFF;
	s21 =	sshll.u32 s6, $0x1;
	s3 =	sadd.s32 s4, s19  }
0x9c: {  	s7 =	simm.s32 $0x0;
	s20 =	sshll.u32 s5, $0x1;
	s5 =	sadd.s32 s21, s3  }
0x9d: {  	[timem:s7], [sflag:s22] =	dma.local [hbm:s5], s20  }
0x9e: {  	_ =	swait.ge [sflag:s22], s20  }
0x9f: {  	s4 =	ssub.s32 $0x0, s20;
	[sflag:s22] =	ssyncset.done $0x0  }
0xa0: {  	[sflag:s22] =	ssyncadd.s32 s4;
	_ =	sdelay $0x1  }
0xa1: {  	s23 =	simm.s32 $0x1B8B  }
0xa2: {  	_ =	swait.ge [sflag:s23], $0x1  }
0xa3: {  	[sflag:s23] =	ssyncset.done $0x0  }
0xa4: {  	s25 =	simm.s32 $0x1B8E;
	s24 =	sld [smem:$0x3FFE];
	[sflag:s23] =	ssyncadd.s32 $0xFFFFFFFF  }
0xa5: {  	s26 =	simm.s32 $execute0_lowered;
	[smem:$0x3FD2] =	sst s25  }
0xa6: {  	s5 =	sshll.u32 s26, $0x1;
	_ =	strace $0x80000046;
	[dreg:$0x1] =	wrdreg $0xFFFFFFFF  }
0xa7: {  	s28 =	simm.s32 $_size_execute0_lowered;
	s3 =	sadd.s32 s3, s5;
	[dreg:$0x0] =	wrdreg $0x0  }
0xa8: {  	s5 =	sshll.u32 s28, $0x1;
	[dreg:$0x2] =	wrdreg s3  }
0xa9: {  	[dreg:$0x3] =	wrdreg s5  }
0xaa: {  	[dreg:$0x4] =	wrdreg $0xC0  }
0xab: {  	_ =	task [dreg:s7], $0x5FFFF  }
0xac: {  	[dreg:$0x1] =	wrdreg $0xFFFFFFFF  }
0xad: {  	[dreg:$0x0] =	wrdreg $0x60  }
0xae: {  	[dreg:$0x2] =	wrdreg s24  }
0xaf: {  	[dreg:$0x3] =	wrdreg s2  }
0xb0: {  	[dreg:$0x4] =	wrdreg $0x9  }
0xb1: {  	_ =	task.clear_ibuf [dreg:s7], $0x5FFFF;
	_ =	strace $0x90000046  }
0xb2: {  	s29 =	simm.s32 $0x9;
	_ =	strace $0x80000048  }
0xb3: {  	_ =	swait.ge [sflag:s29], $0x1  }
0xb4: {  	[sflag:s29] =	ssyncadd.s32 $0xFFFFFFFF  }
0xb5: {  	_ =	strace $0x90000048  }
0xb6: {  	_ =	sfence  }
0xb7: {  	s30 =	sld [smem:$0x0];
	_ =	sdelay $0x2  }
0xb8: {  	s31 =	sshll.u32 s1, $0xD;
	s1 =	sshrl.u32 s1, $0x2  }
0xb9: {  	s3 =	sand.u32 $0x4000, s31;
	s1 =	sadd.s32 s1, s30  }
0xba: {  	s0 =	sor.u32 s3, s0;
	s1 =	sshll.u32 s1, $0x11  }
0xbb: {  	s0 =	sor.u32 s1, s0  }
0xbc: {  	s0 =	sadd.s32 $0x8F2B, s0  }
0xbd: {  	[sflag:s0] =	ssyncadd.remote.s32 $0x1  }
0xbe: {  	_ =	sfence.sel $0xFFFF  }
0xbf: {  	[dreg:$0x0] =	wrdreg $0xFFFFFFFF;
	(pc) =	sbr.abs _section_cstart, $3  }
0xc0: {  	[dreg:$0x1] =	wrdreg $0xFFFFFFFF  }
0xc1: {  	_ =	task.clear_ibuf [dreg:s7], $0x2FFFF;
	_ =	strace $0x9FFFFFFF  }
0xc2: {  	(tm) =	ssettm $0x7FFFFFFF  }
0xc3: {  	_ =	shalt  }
tec
execute0_lowered:
.L_overlay_start_1:
0x0: {  	(tag) =	ssettag $0x1  }
0x1: {  	s4 =	rddreg [dreg:$0x0];
	s0 =	srdreg.scid  }
0x2: {  	s5 =	rddreg [dreg:$0x1];
	s1 =	stileid.u32  }
0x3: {  	s2 =	simm.s32 $0x0;
	s10 =	simm.s32 $0x1080;
	s11 =	simm.s32 $0x0  }
0x4: {  	s3 =	sand.u32 $0x1, s0;
	s0 =	rddreg [dreg:$0x2];
	s6 =	smul.u32 $0x1100, s1  }
0x5: {  	[smem:$0x7FF] =	sst s2;
	s7 =	smul.u32 $0x880, s3;
	s8 =	ssub.s32 $0x2, s3  }
0x6: {  	_ =	strace $0x80000047;
	s3 =	sadd.s32 $0x600, s4;
	s9 =	sshrl.u32 s8, $0x1  }
0x7: {  	s4 =	sadd.s32 $0x800, s4;
	s6 =	sadd.s32 s7, s6;
	s8 =	ssub.s32 s8, s9  }
0x8: {  	v1 =	vlaneseq.u32;
	v0 =	vmov s1;
	s7 =	sadd.s32 $0xFFFFF780, s7;
	s9 =	simm.s32 $0x1000;
	s6 =	sshrl.u32 s6, $0x3  }
0x9: {  	v2 =	vimm.s32 $0x0;
	v3 =	vimm.s32 $0x8;
	v0 =	vbroadcast v0, $0x0;
	s5 =	sadd.s32 s5, s6;
	s6 =	smax.u32 s8, $0x1;
	s8 =	simm.s32 $0x1  }
.LBB2_1:
0xa: {  	[tilespmem:s2], [sflag:$0x1] =	stream.linear.gather [hbm4b:s3+s2], $0x1000, $0x38;
	[tilespmem:$0x1900] =	vst v63  }
0xb: {  	_ =	swait.ge [sflag:s8], $0x1000  }
0xc: {  	[sflag:s8] =	ssyncset.done $0x0  }
0xd: {  	[sflag:s8] =	ssyncadd.s32 $0xFFFFF000  }
0xe: {  	[tilespmem:s9], [sflag:$0x1] =	stream.linear.gather [hbm4b:s4+s2], $0x80, $0x38;
	[tilespmem:$0x1900] =	vst v63  }
0xf: {  	_ =	swait.ge [sflag:s8], $0x80  }
0x10: {  	[sflag:s8] =	ssyncset.done $0x0  }
0x11: {  	[sflag:s8] =	ssyncadd.s32 $0xFFFFFF80  }
0x12: {  	v4 =	vld [tilespmem:$0x1000];
	_ =	sdelay $0x4  }
0x13: {  	v5 =	vadd.s32 s7, v4  }
0x14: {  	v5 =	vadd.s32 v1, v5  }
0x15: {  	v6 =	vsub.s32 $0x0, v5  }
0x16: {  	v6 =	vmin.u32 v5, v6  }
0x17: {  	vm0 =	vgt.s32 v6, $0xB;
	vm1 =	vgt.s32 v6, $0xF  }
0x18: {  	v7 =	vsel vm0, $0x9, v3;
	v8 =	vsel vm1, $0x1, v2;
	vm0 =	vgt.s32 v6, $0x16  }
0x19: {  	v7 =	vadd.s32 v8, v7;
	v8 =	vsel vm0, $0x1, v2;
	vm0 =	vgt.s32 v6, $0x1F  }
0x1a: {  	v7 =	vadd.s32 v8, v7;
	v8 =	vsel vm0, $0x1, v2;
	vm0 =	vgt.s32 v6, $0x2D  }
0x1b: {  	v7 =	vadd.s32 v8, v7;
	v8 =	vsel vm0, $0x1, v2;
	vm0 =	vgt.s32 v6, $0x3F  }
0x1c: {  	s12 =	sadd.s32 $0x10, s7;
	v7 =	vadd.s32 v8, v7;
	v8 =	vsel vm0, $0x1, v2;
	vm0 =	vgt.s32 v6, $0x5A  }
0x1d: {  	v9 =	vadd.s32 s12, v4;
	v7 =	vadd.s32 v8, v7;
	v8 =	vsel vm0, $0x1, v2  }
0x1e: {  	vm1 =	vlt.s32 v6, $0x8;
	vm0 =	vlt.s32 v2, v5;
	v5 =	vadd.s32 v8, v7  }
0x1f: {  	v8 =	vadd.s32 v1, v9;
	v7 =	vsel vm0, $0x10, v2;
	v5 =	vsel vm1, v6, v5  }
0x20: {  	v6 =	vsub.s32 $0x0, v8;
	v7 =	vadd.s32 v7, v5  }
0x21: {  	v5 =	vmin.u32 v8, v6;
	v6 =	vshll.u32 v7, $0x7  }
0x22: {  	vm0 =	vgt.s32 v5, $0xB;
	vm1 =	vgt.s32 v5, $0xF;
	v6 =	vor.u32 v0, v6  }
0x23: {  	v7 =	vsel vm0, $0x9, v3;
	v9 =	vsel vm1, $0x1, v2;
	vm0 =	vgt.s32 v5, $0x16  }
0x24: {  	v7 =	vadd.s32 v9, v7;
	v9 =	vsel vm0, $0x1, v2;
	vm0 =	vgt.s32 v5, $0x1F  }
0x25: {  	v7 =	vadd.s32 v9, v7;
	v9 =	vsel vm0, $0x1, v2;
	vm0 =	vgt.s32 v5, $0x2D  }
0x26: {  	v7 =	vadd.s32 v9, v7;
	v9 =	vsel vm0, $0x1, v2;
	vm0 =	vgt.s32 v5, $0x3F  }
0x27: {  	v9 =	vadd.s32 v9, v7;
	v10 =	vsel vm0, $0x1, v2;
	vm0 =	vgt.s32 v5, $0x5A  }
0x28: {  	s13 =	simm.s32 $0x80;
	s15 =	sadd.s32 $0x10, s12;
	vm1 =	vlt.s32 v5, $0x8;
	v9 =	vadd.s32 v10, v9;
	v10 =	vsel vm0, $0x1, v2;
	v6 =	vld.idx.msk [tilespmem:v6+s2+$0x0], $0xffff  }
0x29: {  	s16 =	simm.s32 $0xC0;
	s14 =	simm.s32 $0x0;
	s12 =	simm.s32 $0x40;
	v7 =	vadd.s32 s15, v4;
	vm0 =	vlt.s32 v2, v8;
	v8 =	vadd.s32 v10, v9  }
.LBB2_2:
0x2a: {  	p0 =	sne.s32 s16, $0x21C0;
	v9 =	vadd.s32 v1, v7;
	v7 =	vsel vm0, $0x10, v2;
	v5 =	vsel vm1, v5, v8  }
0x2b: {  	v8 =	vsub.s32 $0x0, v9;
	v7 =	vadd.s32 v7, v5  }
0x2c: {  	s17 =	sshra.s32 s14, $0x2;
	s14 =	smov.u32 s12;
	s12 =	smov.u32 s13;
	v5 =	vmin.u32 v9, v8;
	v7 =	vshll.u32 v7, $0x7  }
0x2d: {  	s13 =	smov.u32 s16;
	vm0 =	vgt.s32 v5, $0xB;
	vm1 =	vgt.s32 v5, $0xF;
	v7 =	vor.u32 v0, v7;
	[tilespmem:s17+$0x1080] =	vst v6  }
0x2e: {  	v6 =	vsel vm0, $0x9, v3;
	v8 =	vsel vm1, $0x1, v2;
	vm0 =	vgt.s32 v5, $0x16  }
0x2f: {  	v6 =	vadd.s32 v8, v6;
	v8 =	vsel vm0, $0x1, v2;
	vm0 =	vgt.s32 v5, $0x1F  }
.Ltmp0:
0x30: {  	v6 =	vadd.s32 v8, v6;
	v8 =	vsel vm0, $0x1, v2;
	vm0 =	vgt.s32 v5, $0x2D;
	(pc) =	sbr.rel @p0 .LBB2_2-.Ltmp0, $4  }
0x31: {  	v6 =	vadd.s32 v8, v6;
	v8 =	vsel vm0, $0x1, v2;
	vm0 =	vgt.s32 v5, $0x3F  }
0x32: {  	s15 =	sadd.s32 $0x10, s15;
	v8 =	vadd.s32 v8, v6;
	v10 =	vsel vm0, $0x1, v2;
	vm0 =	vgt.s32 v5, $0x5A;
	v6 =	vld.idx.msk [tilespmem:v7+s2+$0x0], $0xffff  }
0x33: {  	v7 =	vadd.s32 s15, v4;
	v8 =	vadd.s32 v10, v8;
	v10 =	vsel vm0, $0x1, v2  }
0x34: {  	s16 =	sadd.s32 $0x40, s16;
	vm1 =	vlt.s32 v5, $0x8;
	vm0 =	vlt.s32 v2, v9;
	v8 =	vadd.s32 v10, v8  }
0x35: {  	v4 =	vadd.s32 v1, v7;
	v54 =	vsel vm0, $0x10, v2;
	v5 =	vsel vm1, v5, v8  }
0x36: {  	v55 =	vsub.s32 $0x0, v4;
	v5 =	vadd.s32 v54, v5  }
0x37: {  	v56 =	vmin.u32 v4, v55;
	v5 =	vshll.u32 v5, $0x7  }
0x38: {  	vm7 =	vgt.s32 v56, $0xB;
	vm8 =	vgt.s32 v56, $0xF;
	v5 =	vor.u32 v0, v5  }
0x39: {  	vm9 =	vgt.s32 v56, $0x16;
	v57 =	vsel vm7, $0x9, v3;
	v9 =	vsel vm8, $0x1, v2  }
0x3a: {  	vm10 =	vgt.s32 v56, $0x1F;
	v58 =	vsel vm9, $0x1, v2;
	v8 =	vadd.s32 v9, v57  }
0x3b: {  	vm11 =	vgt.s32 v56, $0x2D;
	v59 =	vsel vm10, $0x1, v2;
	v8 =	vadd.s32 v58, v8  }
0x3c: {  	vm12 =	vgt.s32 v56, $0x3F;
	v60 =	vsel vm11, $0x1, v2;
	v8 =	vadd.s32 v59, v8  }
0x3d: {  	vm13 =	vgt.s32 v56, $0x5A;
	v61 =	vsel vm12, $0x1, v2;
	v8 =	vadd.s32 v60, v8  }
0x3e: {  	v62 =	vsel vm13, $0x1, v2;
	v8 =	vadd.s32 v61, v8  }
0x3f: {  	vm14 =	vlt.s32 v2, v4;
	vm15 =	vlt.s32 v56, $0x8;
	v4 =	vadd.s32 v62, v8  }
0x40: {  	s14 =	sshra.s32 s14, $0x2;
	v63 =	vsel vm14, $0x10, v2;
	v4 =	vsel vm15, v56, v4  }
0x41: {  	[tilespmem:s14+$0x1080] =	vst v6;
	v4 =	vadd.s32 v63, v4  }
0x42: {  	v5 =	vld.idx.msk [tilespmem:v5+s2+$0x0], $0xffff;
	v4 =	vshll.u32 v4, $0x7  }
0x43: {  	v4 =	vor.u32 v0, v4;
	_ =	sdelay $0x2  }
0x44: {  	s12 =	sshra.s32 s12, $0x2  }
0x45: {  	[tilespmem:s12+$0x1080] =	vst v5  }
0x46: {  	v4 =	vld.idx.msk [tilespmem:v4+s2+$0x0], $0xffff;
	_ =	sdelay $0x2  }
0x47: {  	s11 =	sadd.s32 $0x1, s11  }
0x48: {  	s31 =	sshra.s32 s13, $0x2;
	p0 =	sne.s32 s11, s6  }
.Ltmp1:
0x49: {  	[tilespmem:s31+$0x1080] =	vst v4;
	(pc) =	sbr.rel @p0 .LBB2_1-.Ltmp1, $4  }
0x4a: {  	[hbm4b:s5+s2] =	stream.linear.scatter [tilespmem:s10], [sflag:$0x1], $0x880, $0x38;
	[tilespmem:$0x1900] =	vst v63  }
0x4b: {  	_ =	swait.ge [sflag:s8], $0x880  }
0x4c: {  	[sflag:s8] =	ssyncset.done $0x0  }
0x4d: {  	[sflag:s8] =	ssyncadd.s32 $0xFFFFF780  }
0x4e: {  	_ =	sfence.sel $0x180000  }
0x4f: {  	[bflag:$0x0] =	sbarrier.arrive $0xFFFF  }
0x50: {  	p0 =	sne.s32 s1, $0x0;
	_ =	strace $0x90000047  }
0x51: {  	s0 =	sadd.s32 @!p0 $0x100000, s0;
	[bflag:$0x2] =	sbarrier.arrive $0xFFFF  }
0x52: {  	[sflag:s0] =	ssyncadd.tile.s32 @!p0 $0x1;
	_ =	shalt  }
.Lfunc_end2:
_tile_overlayer_lowered:
.L_overlay_start_2:
0x53: {  	(tag) =	ssettag $0x2  }
0x54: {  	s0 =	rddreg [dreg:$0x0];
	s2 =	stileid.u32  }
0x55: {  	s1 =	rddreg [dreg:$0x1];
	p0 =	sne.s32 s2, $0x0  }
0x56: {  	s3 =	rddreg [dreg:$0x2];
	[bflag:$0x3] =	sbarrier.arrive $0xFFFF;
	s2 =	simm.s32 @!p0 $0x1C01  }
0x57: {  	[timem:s3], [sflag:s2] =	dma.local @!p0 [hbm:s0], s1  }
0x58: {  	s0 =	simm.s32 @!p0 $0x1  }
0x59: {  	_ =	swait.ge @!p0 [sflag:s0], s1  }
0x5a: {  	s1 =	ssub.s32 @!p0 $0x0, s1;
	[sflag:s0] =	ssyncset.done @!p0 $0x0  }
0x5b: {  	[sflag:s0] =	ssyncadd.s32 @!p0 s1  }
0x5c: {  	[bflag:$0x3] =	sbarrier.arrive $0xFFFF  }
0x5d: {  	_ =	shalt  }

</sc_bundles>
